<compile_context>
chip_gen: v7x
topology: tpu7x:2x2x1
jax: 0.10.2.dev20260603
libtpu: 0.0.44.dev20260713+nightly
codegen_flags: <defaults>
</compile_context>

<pallas_src>
import functools

import jax
import jax.numpy as jnp
import numpy as np
from jax import lax
from jax.experimental import pallas as pl
from jax.experimental.pallas import tpu as pltpu
from jax.experimental.pallas import tpu_sc as plsc

B = 8
K = 8
T = 512
CARD = 2048
SPECIAL = 2048
S_OUT = T + K
S_IN = T + K - 1
NBLK = B * K
CH = 16
NCH = T // CH
NC = 2
NS = 16
NW = NC * NS
BLOCKS_PER_W = NBLK // NW


def _seq_mask_np():
    m = np.zeros((K, S_OUT), dtype=bool)
    for q in range(K):
        m[q, q + 1:q + 1 + T] = True
    return m


_SEQ_MASK = _seq_mask_np()



NBUF = 3


def _sc_copy_body(lg, out, buf0, buf1, buf2, rs0, rs1, rs2, ws0, ws1, ws2):
    wid = lax.axis_index("s") * NC + lax.axis_index("c")
    nchunks = BLOCKS_PER_W * NCH
    bufs, rsems, wsems = (buf0, buf1, buf2), (rs0, rs1, rs2), (ws0, ws1, ws2)

    def src_of(c):
        i = wid * BLOCKS_PER_W + lax.div(c, NCH)
        q = lax.rem(i, K)
        return pl.multiple_of(i * S_IN + q + lax.rem(c, NCH) * CH, 8)

    def dst_of(c):
        return pl.multiple_of(wid * BLOCKS_PER_W * T + c * CH, 8)

    def read_start(c, p):
        pltpu.make_async_copy(lg.at[pl.ds(src_of(c), CH)], bufs[p], rsems[p]).start()

    def read_wait(p):
        pltpu.make_async_copy(lg.at[pl.ds(0, CH)], bufs[p], rsems[p]).wait()

    def write_start(c, p):
        pltpu.make_async_copy(bufs[p], out.at[pl.ds(dst_of(c), CH)], wsems[p]).start()

    def write_wait(p):
        pltpu.make_async_copy(bufs[p], out.at[pl.ds(0, CH)], wsems[p]).wait()

    for p in range(NBUF):
        read_start(p, p)

    def body(cc, carry):
        c = cc * NBUF
        for p in range(NBUF):
            @pl.when(c + p < nchunks)
            def _():
                read_wait(p)
                write_start(c + p, p)

        for p in range(NBUF):
            @pl.when(c + p < nchunks)
            def _():
                write_wait(p)

            @pl.when(c + NBUF + p < nchunks)
            def _():
                read_start(c + NBUF + p, p)

        return carry

    lax.fori_loop(0, (nchunks + NBUF - 1) // NBUF, body, 0)


def _sc_copy(logits_flat):
    mesh = plsc.VectorSubcoreMesh(core_axis_name="c", subcore_axis_name="s")
    fn = functools.partial(
        pl.kernel,
        mesh=mesh,
        out_type=jax.ShapeDtypeStruct((NBLK * T, CARD), jnp.float32),
        scratch_types=(
            [pltpu.VMEM((CH, CARD), jnp.float32)] * NBUF
            + [pltpu.SemaphoreType.DMA] * (2 * NBUF)
        ),
    )(_sc_copy_body)
    return fn(logits_flat)



def _values_body(p_ref, o_ref):
    for q in range(K):
        row = p_ref[:, q, :]
        parts = [jnp.full((B, q + 1), SPECIAL, jnp.int32), row]
        if K - 1 - q:
            parts.append(jnp.full((B, K - 1 - q), SPECIAL, jnp.int32))
        o_ref[:, q, :] = jnp.concatenate(parts, axis=1)


def _values(prompt):
    return pl.pallas_call(
        _values_body,
        out_shape=jax.ShapeDtypeStruct((B, K, S_OUT), jnp.int32),
    )(prompt)


def kernel(prompt, logits):
    lg_flat = logits.reshape(NBLK * S_IN, CARD)
    out_flat = _sc_copy(lg_flat)
    out_logits = out_flat.reshape(B, K, T, CARD)
    values = _values(prompt)
    seq_mask = jnp.asarray(_SEQ_MASK)
    logits_mask = jnp.ones((B, K, T), dtype=bool)
    return values, seq_mask, out_logits, logits_mask

# --- scband reference (transcript-rebuilt; emitter-appended) ---
"""Pipeline reference for scband-prompt-processor-80547816669268 (READ-ONLY COPY).

The authoritative reference and input builder live on the scoring server;
editing this copy changes nothing except your own understanding.
"""

import jax, jax.numpy as jnp
import numpy as np

B = 8
K = 8          # encodec num_codebooks
T = 512        # prompt timesteps
CARD = 2048    # codebook cardinality (logits dim)
SPECIAL = 2048 # special token id


def _layout():
    # DelayedPatternProvider layout: step 0 is empty, then codebook q is delayed by q steps
    max_delay = K - 1
    layout = [[]]
    for t in range(T + max_delay):
        v = []
        for q in range(K):
            tq = t - q
            if tq >= 0:
                v.append((tq, q))
        layout.append(v)
    return layout


def _interleave_indexes():
    layout = _layout()
    S = len(layout)  # T + K
    idx = np.full((K, S), K * T, dtype=np.int32)  # default -> special-token slot
    mask = np.zeros((K, S), dtype=bool)
    for s, coords in enumerate(layout):
        for (t, q) in coords:
            if t < T:
                idx[q, s] = t + q * T
                mask[q, s] = True
    return idx, mask


def _revert_indexes(S_seq):
    # is_model_output=True -> shift layout by one step
    layout = _layout()[1:]
    idx = np.full((K, T), K * S_seq, dtype=np.int32)  # default -> NaN slot
    mask = np.zeros((K, T), dtype=bool)
    for s, coords in enumerate(layout):
        if s < S_seq:
            for (t, q) in coords:
                if t < T:
                    idx[q, t] = s + q * S_seq
                    mask[q, t] = True
    return idx, mask


def setup_inputs(seed: int = 0):
    key = jax.random.key(seed)
    k1, k2 = jax.random.split(key)
    prompt = jax.random.randint(k1, (B, K, T), 0, CARD, dtype=jnp.int32)
    logits = jax.random.normal(k2, (B, K, T + K - 1, CARD), dtype=jnp.float32)
    return {"prompt": prompt, "logits": logits}


def reference(prompt, logits):
    # ---- interleave (Pattern.build_pattern_sequence) ----
    idx, seq_mask_np = _interleave_indexes()
    z = prompt.reshape(B, K * T)
    z = jnp.concatenate([z, jnp.full((B, 1), SPECIAL, dtype=z.dtype)], axis=1)
    values = jnp.take(z, jnp.asarray(idx.reshape(-1)), axis=1).reshape(B, K, idx.shape[-1])
    seq_mask = jnp.asarray(seq_mask_np)

    # ---- deinterleave_logits (Pattern.revert_pattern_logits) ----
    # logits: [B, K, S, card] -> permute(0,3,1,2) -> [B, card, K, S]
    lg = jnp.transpose(logits, (0, 3, 1, 2))
    Bl, card, Kl, S_seq = lg.shape
    ridx, rmask_np = _revert_indexes(S_seq)
    flat = lg.reshape(Bl, card, Kl * S_seq)
    flat = jnp.concatenate([flat, jnp.full((Bl, card, 1), jnp.nan, dtype=flat.dtype)], axis=-1)
    rv = jnp.take(flat, jnp.asarray(ridx.reshape(-1)), axis=2).reshape(Bl, card, K, T)
    out_logits = jnp.transpose(rv, (0, 2, 3, 1))  # [B, K, T, card]
    logits_mask = jnp.broadcast_to(jnp.asarray(rmask_np)[None, :, :], (Bl, K, T))
    return values, seq_mask, out_logits, logits_mask

if __name__ == "__main__":
    import jax
    _d = setup_inputs()
    print(jax.jit(kernel)(*tuple(_d.values())))

</pallas_src>

<mosaic_0001>
#map = affine_map<(d0, d1) -> (0, 0)>
module attributes {stable_mosaic.version = 14 : i64} {
  func.func @_sc_copy_body(%arg0: i32, %arg1: i32, %arg2: memref<33216x2048xf32, #tpu.memory_space<hbm>>, %arg3: memref<32768x2048xf32, #tpu.memory_space<hbm>>, %arg4: memref<16x2048xf32, #tpu.memory_space<vmem>>, %arg5: memref<16x2048xf32, #tpu.memory_space<vmem>>, %arg6: memref<16x2048xf32, #tpu.memory_space<vmem>>, %arg7: memref<!tpu.dma_semaphore, #tpu.memory_space<semaphore_mem>>, %arg8: memref<!tpu.dma_semaphore, #tpu.memory_space<semaphore_mem>>, %arg9: memref<!tpu.dma_semaphore, #tpu.memory_space<semaphore_mem>>, %arg10: memref<!tpu.dma_semaphore, #tpu.memory_space<semaphore_mem>>, %arg11: memref<!tpu.dma_semaphore, #tpu.memory_space<semaphore_mem>>, %arg12: memref<!tpu.dma_semaphore, #tpu.memory_space<semaphore_mem>>) attributes {dimension_semantics = [#tpu.dimension_semantics<core_parallel>, #tpu.dimension_semantics<subcore_parallel>], iteration_bounds = array<i64: 2, 16>, scalar_prefetch = 0 : i64, scratch_operands = 9 : i64, tpu.core_type = #tpu.core_type<sc_vector_subcore>, window_params = [{transform_indices = #map}, {transform_indices = #map}]} {
    %mul3A = arith.constant 2 : i32
    %mul3A_0 = arith.muli %arg1, %mul3A : i32
    %add3A = arith.addi %mul3A_0, %arg0 : i32
    %mul3A_1 = arith.constant 2 : i32
    %mul3A_2 = arith.muli %add3A, %mul3A_1 : i32
    %div3A = arith.constant 0 : i32
    %div3A_3 = arith.constant 32 : i32
    %div3A_4 = arith.divsi %div3A, %div3A_3 : i32
    %add3A_5 = arith.addi %mul3A_2, %div3A_4 : i32
    %rem3A = arith.constant 8 : i32
    %rem3A_6 = arith.remsi %add3A_5, %rem3A : i32
    %mul3A_7 = arith.constant 519 : i32
    %mul3A_8 = arith.muli %add3A_5, %mul3A_7 : i32
    %add3A_9 = arith.addi %mul3A_8, %rem3A_6 : i32
    %rem3A_10 = arith.constant 0 : i32
    %rem3A_11 = arith.constant 32 : i32
    %rem3A_12 = arith.remsi %rem3A_10, %rem3A_11 : i32
    %mul3A_13 = arith.constant 16 : i32
    %mul3A_14 = arith.muli %rem3A_12, %mul3A_13 : i32
    %add3A_15 = arith.addi %add3A_9, %mul3A_14 : i32
    %multiple_of3A = tpu.assume_multiple %add3A_15, 8 : i32
    %dma_start3A = arith.constant 0 : i32
    %dma_start3A_16 = tpu.memref_slice %arg2[%multiple_of3A, %dma_start3A] : memref<33216x2048xf32, #tpu.memory_space<hbm>> -> memref<16x2048xf32, #tpu.memory_space<hbm>>
    %dma_start3A_17 = arith.constant 0 : i32
    %dma_start3A_18 = tpu.memref_slice %arg2[%multiple_of3A, %dma_start3A_17] : memref<33216x2048xf32, #tpu.memory_space<hbm>> -> memref<16x2048xf32, #tpu.memory_space<hbm>>
    tpu.enqueue_dma source(%dma_start3A_18 : memref<16x2048xf32, #tpu.memory_space<hbm>>) target(%arg4 : memref<16x2048xf32, #tpu.memory_space<vmem>>) target_semaphore(%arg7 : memref<!tpu.dma_semaphore, #tpu.memory_space<semaphore_mem>>)
    %mul3A_19 = arith.constant 2 : i32
    %mul3A_20 = arith.muli %add3A, %mul3A_19 : i32
    %div3A_21 = arith.constant 1 : i32
    %div3A_22 = arith.constant 32 : i32
    %div3A_23 = arith.divsi %div3A_21, %div3A_22 : i32
    %add3A_24 = arith.addi %mul3A_20, %div3A_23 : i32
    %rem3A_25 = arith.constant 8 : i32
    %rem3A_26 = arith.remsi %add3A_24, %rem3A_25 : i32
    %mul3A_27 = arith.constant 519 : i32
    %mul3A_28 = arith.muli %add3A_24, %mul3A_27 : i32
    %add3A_29 = arith.addi %mul3A_28, %rem3A_26 : i32
    %rem3A_30 = arith.constant 1 : i32
    %rem3A_31 = arith.constant 32 : i32
    %rem3A_32 = arith.remsi %rem3A_30, %rem3A_31 : i32
    %mul3A_33 = arith.constant 16 : i32
    %mul3A_34 = arith.muli %rem3A_32, %mul3A_33 : i32
    %add3A_35 = arith.addi %add3A_29, %mul3A_34 : i32
    %multiple_of3A_36 = tpu.assume_multiple %add3A_35, 8 : i32
    %dma_start3A_37 = arith.constant 0 : i32
    %dma_start3A_38 = tpu.memref_slice %arg2[%multiple_of3A_36, %dma_start3A_37] : memref<33216x2048xf32, #tpu.memory_space<hbm>> -> memref<16x2048xf32, #tpu.memory_space<hbm>>
    %dma_start3A_39 = arith.constant 0 : i32
    %dma_start3A_40 = tpu.memref_slice %arg2[%multiple_of3A_36, %dma_start3A_39] : memref<33216x2048xf32, #tpu.memory_space<hbm>> -> memref<16x2048xf32, #tpu.memory_space<hbm>>
    tpu.enqueue_dma source(%dma_start3A_40 : memref<16x2048xf32, #tpu.memory_space<hbm>>) target(%arg5 : memref<16x2048xf32, #tpu.memory_space<vmem>>) target_semaphore(%arg8 : memref<!tpu.dma_semaphore, #tpu.memory_space<semaphore_mem>>)
    %mul3A_41 = arith.constant 2 : i32
    %mul3A_42 = arith.muli %add3A, %mul3A_41 : i32
    %div3A_43 = arith.constant 2 : i32
    %div3A_44 = arith.constant 32 : i32
    %div3A_45 = arith.divsi %div3A_43, %div3A_44 : i32
    %add3A_46 = arith.addi %mul3A_42, %div3A_45 : i32
    %rem3A_47 = arith.constant 8 : i32
    %rem3A_48 = arith.remsi %add3A_46, %rem3A_47 : i32
    %mul3A_49 = arith.constant 519 : i32
    %mul3A_50 = arith.muli %add3A_46, %mul3A_49 : i32
    %add3A_51 = arith.addi %mul3A_50, %rem3A_48 : i32
    %rem3A_52 = arith.constant 2 : i32
    %rem3A_53 = arith.constant 32 : i32
    %rem3A_54 = arith.remsi %rem3A_52, %rem3A_53 : i32
    %mul3A_55 = arith.constant 16 : i32
    %mul3A_56 = arith.muli %rem3A_54, %mul3A_55 : i32
    %add3A_57 = arith.addi %add3A_51, %mul3A_56 : i32
    %multiple_of3A_58 = tpu.assume_multiple %add3A_57, 8 : i32
    %dma_start3A_59 = arith.constant 0 : i32
    %dma_start3A_60 = tpu.memref_slice %arg2[%multiple_of3A_58, %dma_start3A_59] : memref<33216x2048xf32, #tpu.memory_space<hbm>> -> memref<16x2048xf32, #tpu.memory_space<hbm>>
    %dma_start3A_61 = arith.constant 0 : i32
    %dma_start3A_62 = tpu.memref_slice %arg2[%multiple_of3A_58, %dma_start3A_61] : memref<33216x2048xf32, #tpu.memory_space<hbm>> -> memref<16x2048xf32, #tpu.memory_space<hbm>>
    tpu.enqueue_dma source(%dma_start3A_62 : memref<16x2048xf32, #tpu.memory_space<hbm>>) target(%arg6 : memref<16x2048xf32, #tpu.memory_space<vmem>>) target_semaphore(%arg9 : memref<!tpu.dma_semaphore, #tpu.memory_space<semaphore_mem>>)
    %scan3A = arith.constant 0 : i32
    %scan3A_63 = arith.constant 0 : i32
    %scan3A_64 = arith.constant 22 : i32
    %scan3A_65 = arith.addi %scan3A_63, %scan3A_64 : i32
    %scan3A_66 = arith.constant 1 : i32
    scf.for %scan3A_68 = %scan3A_63 to %scan3A_65 step %scan3A_66  : i32 {
      %mul3A_69 = arith.constant 3 : i32
      %mul3A_70 = arith.muli %scan3A_68, %mul3A_69 : i32
      %add3A_71 = arith.constant 0 : i32
      %add3A_72 = arith.addi %mul3A_70, %add3A_71 : i32
      %lt3A = arith.constant 64 : i32
      %lt3A_73 = arith.cmpi slt, %add3A_72, %lt3A : i32
      %convert_element_type3A = arith.extui %lt3A_73 : i1 to i32
      %cond3A = arith.constant 0 : i32
      %cond3A_74 = arith.cmpi ne, %convert_element_type3A, %cond3A : i32
      scf.if %cond3A_74 {
        %dma_wait3A = arith.constant 0 : i32
        %dma_wait3A_137 = arith.constant 0 : i32
        %dma_wait3A_138 = tpu.memref_slice %arg2[%dma_wait3A, %dma_wait3A_137] : memref<33216x2048xf32, #tpu.memory_space<hbm>> -> memref<16x2048xf32, #tpu.memory_space<hbm>>
        %dma_wait3A_139 = arith.constant 0 : i32
        %dma_wait3A_140 = arith.constant 0 : i32
        %dma_wait3A_141 = tpu.memref_slice %arg2[%dma_wait3A_139, %dma_wait3A_140] : memref<33216x2048xf32, #tpu.memory_space<hbm>> -> memref<16x2048xf32, #tpu.memory_space<hbm>>
        tpu.wait_dma2 semaphore(%arg7 : memref<!tpu.dma_semaphore, #tpu.memory_space<semaphore_mem>>) src(%dma_wait3A_141 : memref<16x2048xf32, #tpu.memory_space<hbm>>) dst(%arg4 : memref<16x2048xf32, #tpu.memory_space<vmem>>)
        %add3A_142 = arith.constant 0 : i32
        %add3A_143 = arith.addi %mul3A_70, %add3A_142 : i32
        %mul3A_144 = arith.constant 2 : i32
        %mul3A_145 = arith.muli %add3A, %mul3A_144 : i32
        %mul3A_146 = arith.constant 512 : i32
        %mul3A_147 = arith.muli %mul3A_145, %mul3A_146 : i32
        %mul3A_148 = arith.constant 16 : i32
        %mul3A_149 = arith.muli %add3A_143, %mul3A_148 : i32
        %add3A_150 = arith.addi %mul3A_147, %mul3A_149 : i32
        %multiple_of3A_151 = tpu.assume_multiple %add3A_150, 8 : i32
        %dma_start3A_152 = arith.constant 0 : i32
        %dma_start3A_153 = tpu.memref_slice %arg3[%multiple_of3A_151, %dma_start3A_152] : memref<32768x2048xf32, #tpu.memory_space<hbm>> -> memref<16x2048xf32, #tpu.memory_space<hbm>>
        %dma_start3A_154 = arith.constant 0 : i32
        %dma_start3A_155 = tpu.memref_slice %arg3[%multiple_of3A_151, %dma_start3A_154] : memref<32768x2048xf32, #tpu.memory_space<hbm>> -> memref<16x2048xf32, #tpu.memory_space<hbm>>
        tpu.enqueue_dma source(%arg4 : memref<16x2048xf32, #tpu.memory_space<vmem>>) target(%dma_start3A_155 : memref<16x2048xf32, #tpu.memory_space<hbm>>) target_semaphore(%arg10 : memref<!tpu.dma_semaphore, #tpu.memory_space<semaphore_mem>>)
      } else {
      }
      %add3A_75 = arith.constant 1 : i32
      %add3A_76 = arith.addi %mul3A_70, %add3A_75 : i32
      %lt3A_77 = arith.constant 64 : i32
      %lt3A_78 = arith.cmpi slt, %add3A_76, %lt3A_77 : i32
      %convert_element_type3A_79 = arith.extui %lt3A_78 : i1 to i32
      %cond3A_80 = arith.constant 0 : i32
      %cond3A_81 = arith.cmpi ne, %convert_element_type3A_79, %cond3A_80 : i32
      scf.if %cond3A_81 {
        %dma_wait3A = arith.constant 0 : i32
        %dma_wait3A_137 = arith.constant 0 : i32
        %dma_wait3A_138 = tpu.memref_slice %arg2[%dma_wait3A, %dma_wait3A_137] : memref<33216x2048xf32, #tpu.memory_space<hbm>> -> memref<16x2048xf32, #tpu.memory_space<hbm>>
        %dma_wait3A_139 = arith.constant 0 : i32
        %dma_wait3A_140 = arith.constant 0 : i32
        %dma_wait3A_141 = tpu.memref_slice %arg2[%dma_wait3A_139, %dma_wait3A_140] : memref<33216x2048xf32, #tpu.memory_space<hbm>> -> memref<16x2048xf32, #tpu.memory_space<hbm>>
        tpu.wait_dma2 semaphore(%arg8 : memref<!tpu.dma_semaphore, #tpu.memory_space<semaphore_mem>>) src(%dma_wait3A_141 : memref<16x2048xf32, #tpu.memory_space<hbm>>) dst(%arg5 : memref<16x2048xf32, #tpu.memory_space<vmem>>)
        %add3A_142 = arith.constant 1 : i32
        %add3A_143 = arith.addi %mul3A_70, %add3A_142 : i32
        %mul3A_144 = arith.constant 2 : i32
        %mul3A_145 = arith.muli %add3A, %mul3A_144 : i32
        %mul3A_146 = arith.constant 512 : i32
        %mul3A_147 = arith.muli %mul3A_145, %mul3A_146 : i32
        %mul3A_148 = arith.constant 16 : i32
        %mul3A_149 = arith.muli %add3A_143, %mul3A_148 : i32
        %add3A_150 = arith.addi %mul3A_147, %mul3A_149 : i32
        %multiple_of3A_151 = tpu.assume_multiple %add3A_150, 8 : i32
        %dma_start3A_152 = arith.constant 0 : i32
        %dma_start3A_153 = tpu.memref_slice %arg3[%multiple_of3A_151, %dma_start3A_152] : memref<32768x2048xf32, #tpu.memory_space<hbm>> -> memref<16x2048xf32, #tpu.memory_space<hbm>>
        %dma_start3A_154 = arith.constant 0 : i32
        %dma_start3A_155 = tpu.memref_slice %arg3[%multiple_of3A_151, %dma_start3A_154] : memref<32768x2048xf32, #tpu.memory_space<hbm>> -> memref<16x2048xf32, #tpu.memory_space<hbm>>
        tpu.enqueue_dma source(%arg5 : memref<16x2048xf32, #tpu.memory_space<vmem>>) target(%dma_start3A_155 : memref<16x2048xf32, #tpu.memory_space<hbm>>) target_semaphore(%arg11 : memref<!tpu.dma_semaphore, #tpu.memory_space<semaphore_mem>>)
      } else {
      }
      %add3A_82 = arith.constant 2 : i32
      %add3A_83 = arith.addi %mul3A_70, %add3A_82 : i32
      %lt3A_84 = arith.constant 64 : i32
      %lt3A_85 = arith.cmpi slt, %add3A_83, %lt3A_84 : i32
      %convert_element_type3A_86 = arith.extui %lt3A_85 : i1 to i32
      %cond3A_87 = arith.constant 0 : i32
      %cond3A_88 = arith.cmpi ne, %convert_element_type3A_86, %cond3A_87 : i32
      scf.if %cond3A_88 {
        %dma_wait3A = arith.constant 0 : i32
        %dma_wait3A_137 = arith.constant 0 : i32
        %dma_wait3A_138 = tpu.memref_slice %arg2[%dma_wait3A, %dma_wait3A_137] : memref<33216x2048xf32, #tpu.memory_space<hbm>> -> memref<16x2048xf32, #tpu.memory_space<hbm>>
        %dma_wait3A_139 = arith.constant 0 : i32
        %dma_wait3A_140 = arith.constant 0 : i32
        %dma_wait3A_141 = tpu.memref_slice %arg2[%dma_wait3A_139, %dma_wait3A_140] : memref<33216x2048xf32, #tpu.memory_space<hbm>> -> memref<16x2048xf32, #tpu.memory_space<hbm>>
        tpu.wait_dma2 semaphore(%arg9 : memref<!tpu.dma_semaphore, #tpu.memory_space<semaphore_mem>>) src(%dma_wait3A_141 : memref<16x2048xf32, #tpu.memory_space<hbm>>) dst(%arg6 : memref<16x2048xf32, #tpu.memory_space<vmem>>)
        %add3A_142 = arith.constant 2 : i32
        %add3A_143 = arith.addi %mul3A_70, %add3A_142 : i32
        %mul3A_144 = arith.constant 2 : i32
        %mul3A_145 = arith.muli %add3A, %mul3A_144 : i32
        %mul3A_146 = arith.constant 512 : i32
        %mul3A_147 = arith.muli %mul3A_145, %mul3A_146 : i32
        %mul3A_148 = arith.constant 16 : i32
        %mul3A_149 = arith.muli %add3A_143, %mul3A_148 : i32
        %add3A_150 = arith.addi %mul3A_147, %mul3A_149 : i32
        %multiple_of3A_151 = tpu.assume_multiple %add3A_150, 8 : i32
        %dma_start3A_152 = arith.constant 0 : i32
        %dma_start3A_153 = tpu.memref_slice %arg3[%multiple_of3A_151, %dma_start3A_152] : memref<32768x2048xf32, #tpu.memory_space<hbm>> -> memref<16x2048xf32, #tpu.memory_space<hbm>>
        %dma_start3A_154 = arith.constant 0 : i32
        %dma_start3A_155 = tpu.memref_slice %arg3[%multiple_of3A_151, %dma_start3A_154] : memref<32768x2048xf32, #tpu.memory_space<hbm>> -> memref<16x2048xf32, #tpu.memory_space<hbm>>
        tpu.enqueue_dma source(%arg6 : memref<16x2048xf32, #tpu.memory_space<vmem>>) target(%dma_start3A_155 : memref<16x2048xf32, #tpu.memory_space<hbm>>) target_semaphore(%arg12 : memref<!tpu.dma_semaphore, #tpu.memory_space<semaphore_mem>>)
      } else {
      }
      %add3A_89 = arith.constant 0 : i32
      %add3A_90 = arith.addi %mul3A_70, %add3A_89 : i32
      %lt3A_91 = arith.constant 64 : i32
      %lt3A_92 = arith.cmpi slt, %add3A_90, %lt3A_91 : i32
      %convert_element_type3A_93 = arith.extui %lt3A_92 : i1 to i32
      %cond3A_94 = arith.constant 0 : i32
      %cond3A_95 = arith.cmpi ne, %convert_element_type3A_93, %cond3A_94 : i32
      scf.if %cond3A_95 {
        %dma_wait3A = arith.constant 0 : i32
        %dma_wait3A_137 = arith.constant 0 : i32
        %dma_wait3A_138 = tpu.memref_slice %arg3[%dma_wait3A, %dma_wait3A_137] : memref<32768x2048xf32, #tpu.memory_space<hbm>> -> memref<16x2048xf32, #tpu.memory_space<hbm>>
        %dma_wait3A_139 = arith.constant 0 : i32
        %dma_wait3A_140 = arith.constant 0 : i32
        %dma_wait3A_141 = tpu.memref_slice %arg3[%dma_wait3A_139, %dma_wait3A_140] : memref<32768x2048xf32, #tpu.memory_space<hbm>> -> memref<16x2048xf32, #tpu.memory_space<hbm>>
        tpu.wait_dma2 semaphore(%arg10 : memref<!tpu.dma_semaphore, #tpu.memory_space<semaphore_mem>>) src(%arg4 : memref<16x2048xf32, #tpu.memory_space<vmem>>) dst(%dma_wait3A_141 : memref<16x2048xf32, #tpu.memory_space<hbm>>)
      } else {
      }
      %add3A_96 = arith.constant 3 : i32
      %add3A_97 = arith.addi %mul3A_70, %add3A_96 : i32
      %add3A_98 = arith.constant 0 : i32
      %add3A_99 = arith.addi %add3A_97, %add3A_98 : i32
      %lt3A_100 = arith.constant 64 : i32
      %lt3A_101 = arith.cmpi slt, %add3A_99, %lt3A_100 : i32
      %convert_element_type3A_102 = arith.extui %lt3A_101 : i1 to i32
      %cond3A_103 = arith.constant 0 : i32
      %cond3A_104 = arith.cmpi ne, %convert_element_type3A_102, %cond3A_103 : i32
      scf.if %cond3A_104 {
        %add3A_137 = arith.constant 3 : i32
        %add3A_138 = arith.addi %mul3A_70, %add3A_137 : i32
        %add3A_139 = arith.constant 0 : i32
        %add3A_140 = arith.addi %add3A_138, %add3A_139 : i32
        %mul3A_141 = arith.constant 2 : i32
        %mul3A_142 = arith.muli %add3A, %mul3A_141 : i32
        %div3A_143 = arith.constant 32 : i32
        %div3A_144 = arith.divsi %add3A_140, %div3A_143 : i32
        %add3A_145 = arith.addi %mul3A_142, %div3A_144 : i32
        %rem3A_146 = arith.constant 8 : i32
        %rem3A_147 = arith.remsi %add3A_145, %rem3A_146 : i32
        %mul3A_148 = arith.constant 519 : i32
        %mul3A_149 = arith.muli %add3A_145, %mul3A_148 : i32
        %add3A_150 = arith.addi %mul3A_149, %rem3A_147 : i32
        %rem3A_151 = arith.constant 32 : i32
        %rem3A_152 = arith.remsi %add3A_140, %rem3A_151 : i32
        %mul3A_153 = arith.constant 16 : i32
        %mul3A_154 = arith.muli %rem3A_152, %mul3A_153 : i32
        %add3A_155 = arith.addi %add3A_150, %mul3A_154 : i32
        %multiple_of3A_156 = tpu.assume_multiple %add3A_155, 8 : i32
        %dma_start3A_157 = arith.constant 0 : i32
        %dma_start3A_158 = tpu.memref_slice %arg2[%multiple_of3A_156, %dma_start3A_157] : memref<33216x2048xf32, #tpu.memory_space<hbm>> -> memref<16x2048xf32, #tpu.memory_space<hbm>>
        %dma_start3A_159 = arith.constant 0 : i32
        %dma_start3A_160 = tpu.memref_slice %arg2[%multiple_of3A_156, %dma_start3A_159] : memref<33216x2048xf32, #tpu.memory_space<hbm>> -> memref<16x2048xf32, #tpu.memory_space<hbm>>
        tpu.enqueue_dma source(%dma_start3A_160 : memref<16x2048xf32, #tpu.memory_space<hbm>>) target(%arg4 : memref<16x2048xf32, #tpu.memory_space<vmem>>) target_semaphore(%arg7 : memref<!tpu.dma_semaphore, #tpu.memory_space<semaphore_mem>>)
      } else {
      }
      %add3A_105 = arith.constant 1 : i32
      %add3A_106 = arith.addi %mul3A_70, %add3A_105 : i32
      %lt3A_107 = arith.constant 64 : i32
      %lt3A_108 = arith.cmpi slt, %add3A_106, %lt3A_107 : i32
      %convert_element_type3A_109 = arith.extui %lt3A_108 : i1 to i32
      %cond3A_110 = arith.constant 0 : i32
      %cond3A_111 = arith.cmpi ne, %convert_element_type3A_109, %cond3A_110 : i32
      scf.if %cond3A_111 {
        %dma_wait3A = arith.constant 0 : i32
        %dma_wait3A_137 = arith.constant 0 : i32
        %dma_wait3A_138 = tpu.memref_slice %arg3[%dma_wait3A, %dma_wait3A_137] : memref<32768x2048xf32, #tpu.memory_space<hbm>> -> memref<16x2048xf32, #tpu.memory_space<hbm>>
        %dma_wait3A_139 = arith.constant 0 : i32
        %dma_wait3A_140 = arith.constant 0 : i32
        %dma_wait3A_141 = tpu.memref_slice %arg3[%dma_wait3A_139, %dma_wait3A_140] : memref<32768x2048xf32, #tpu.memory_space<hbm>> -> memref<16x2048xf32, #tpu.memory_space<hbm>>
        tpu.wait_dma2 semaphore(%arg11 : memref<!tpu.dma_semaphore, #tpu.memory_space<semaphore_mem>>) src(%arg5 : memref<16x2048xf32, #tpu.memory_space<vmem>>) dst(%dma_wait3A_141 : memref<16x2048xf32, #tpu.memory_space<hbm>>)
      } else {
      }
      %add3A_112 = arith.constant 3 : i32
      %add3A_113 = arith.addi %mul3A_70, %add3A_112 : i32
      %add3A_114 = arith.constant 1 : i32
      %add3A_115 = arith.addi %add3A_113, %add3A_114 : i32
      %lt3A_116 = arith.constant 64 : i32
      %lt3A_117 = arith.cmpi slt, %add3A_115, %lt3A_116 : i32
      %convert_element_type3A_118 = arith.extui %lt3A_117 : i1 to i32
      %cond3A_119 = arith.constant 0 : i32
      %cond3A_120 = arith.cmpi ne, %convert_element_type3A_118, %cond3A_119 : i32
      scf.if %cond3A_120 {
        %add3A_137 = arith.constant 3 : i32
        %add3A_138 = arith.addi %mul3A_70, %add3A_137 : i32
        %add3A_139 = arith.constant 1 : i32
        %add3A_140 = arith.addi %add3A_138, %add3A_139 : i32
        %mul3A_141 = arith.constant 2 : i32
        %mul3A_142 = arith.muli %add3A, %mul3A_141 : i32
        %div3A_143 = arith.constant 32 : i32
        %div3A_144 = arith.divsi %add3A_140, %div3A_143 : i32
        %add3A_145 = arith.addi %mul3A_142, %div3A_144 : i32
        %rem3A_146 = arith.constant 8 : i32
        %rem3A_147 = arith.remsi %add3A_145, %rem3A_146 : i32
        %mul3A_148 = arith.constant 519 : i32
        %mul3A_149 = arith.muli %add3A_145, %mul3A_148 : i32
        %add3A_150 = arith.addi %mul3A_149, %rem3A_147 : i32
        %rem3A_151 = arith.constant 32 : i32
        %rem3A_152 = arith.remsi %add3A_140, %rem3A_151 : i32
        %mul3A_153 = arith.constant 16 : i32
        %mul3A_154 = arith.muli %rem3A_152, %mul3A_153 : i32
        %add3A_155 = arith.addi %add3A_150, %mul3A_154 : i32
        %multiple_of3A_156 = tpu.assume_multiple %add3A_155, 8 : i32
        %dma_start3A_157 = arith.constant 0 : i32
        %dma_start3A_158 = tpu.memref_slice %arg2[%multiple_of3A_156, %dma_start3A_157] : memref<33216x2048xf32, #tpu.memory_space<hbm>> -> memref<16x2048xf32, #tpu.memory_space<hbm>>
        %dma_start3A_159 = arith.constant 0 : i32
        %dma_start3A_160 = tpu.memref_slice %arg2[%multiple_of3A_156, %dma_start3A_159] : memref<33216x2048xf32, #tpu.memory_space<hbm>> -> memref<16x2048xf32, #tpu.memory_space<hbm>>
        tpu.enqueue_dma source(%dma_start3A_160 : memref<16x2048xf32, #tpu.memory_space<hbm>>) target(%arg5 : memref<16x2048xf32, #tpu.memory_space<vmem>>) target_semaphore(%arg8 : memref<!tpu.dma_semaphore, #tpu.memory_space<semaphore_mem>>)
      } else {
      }
      %add3A_121 = arith.constant 2 : i32
      %add3A_122 = arith.addi %mul3A_70, %add3A_121 : i32
      %lt3A_123 = arith.constant 64 : i32
      %lt3A_124 = arith.cmpi slt, %add3A_122, %lt3A_123 : i32
      %convert_element_type3A_125 = arith.extui %lt3A_124 : i1 to i32
      %cond3A_126 = arith.constant 0 : i32
      %cond3A_127 = arith.cmpi ne, %convert_element_type3A_125, %cond3A_126 : i32
      scf.if %cond3A_127 {
        %dma_wait3A = arith.constant 0 : i32
        %dma_wait3A_137 = arith.constant 0 : i32
        %dma_wait3A_138 = tpu.memref_slice %arg3[%dma_wait3A, %dma_wait3A_137] : memref<32768x2048xf32, #tpu.memory_space<hbm>> -> memref<16x2048xf32, #tpu.memory_space<hbm>>
        %dma_wait3A_139 = arith.constant 0 : i32
        %dma_wait3A_140 = arith.constant 0 : i32
        %dma_wait3A_141 = tpu.memref_slice %arg3[%dma_wait3A_139, %dma_wait3A_140] : memref<32768x2048xf32, #tpu.memory_space<hbm>> -> memref<16x2048xf32, #tpu.memory_space<hbm>>
        tpu.wait_dma2 semaphore(%arg12 : memref<!tpu.dma_semaphore, #tpu.memory_space<semaphore_mem>>) src(%arg6 : memref<16x2048xf32, #tpu.memory_space<vmem>>) dst(%dma_wait3A_141 : memref<16x2048xf32, #tpu.memory_space<hbm>>)
      } else {
      }
      %add3A_128 = arith.constant 3 : i32
      %add3A_129 = arith.addi %mul3A_70, %add3A_128 : i32
      %add3A_130 = arith.constant 2 : i32
      %add3A_131 = arith.addi %add3A_129, %add3A_130 : i32
      %lt3A_132 = arith.constant 64 : i32
      %lt3A_133 = arith.cmpi slt, %add3A_131, %lt3A_132 : i32
      %convert_element_type3A_134 = arith.extui %lt3A_133 : i1 to i32
      %cond3A_135 = arith.constant 0 : i32
      %cond3A_136 = arith.cmpi ne, %convert_element_type3A_134, %cond3A_135 : i32
      scf.if %cond3A_136 {
        %add3A_137 = arith.constant 3 : i32
        %add3A_138 = arith.addi %mul3A_70, %add3A_137 : i32
        %add3A_139 = arith.constant 2 : i32
        %add3A_140 = arith.addi %add3A_138, %add3A_139 : i32
        %mul3A_141 = arith.constant 2 : i32
        %mul3A_142 = arith.muli %add3A, %mul3A_141 : i32
        %div3A_143 = arith.constant 32 : i32
        %div3A_144 = arith.divsi %add3A_140, %div3A_143 : i32
        %add3A_145 = arith.addi %mul3A_142, %div3A_144 : i32
        %rem3A_146 = arith.constant 8 : i32
        %rem3A_147 = arith.remsi %add3A_145, %rem3A_146 : i32
        %mul3A_148 = arith.constant 519 : i32
        %mul3A_149 = arith.muli %add3A_145, %mul3A_148 : i32
        %add3A_150 = arith.addi %mul3A_149, %rem3A_147 : i32
        %rem3A_151 = arith.constant 32 : i32
        %rem3A_152 = arith.remsi %add3A_140, %rem3A_151 : i32
        %mul3A_153 = arith.constant 16 : i32
        %mul3A_154 = arith.muli %rem3A_152, %mul3A_153 : i32
        %add3A_155 = arith.addi %add3A_150, %mul3A_154 : i32
        %multiple_of3A_156 = tpu.assume_multiple %add3A_155, 8 : i32
        %dma_start3A_157 = arith.constant 0 : i32
        %dma_start3A_158 = tpu.memref_slice %arg2[%multiple_of3A_156, %dma_start3A_157] : memref<33216x2048xf32, #tpu.memory_space<hbm>> -> memref<16x2048xf32, #tpu.memory_space<hbm>>
        %dma_start3A_159 = arith.constant 0 : i32
        %dma_start3A_160 = tpu.memref_slice %arg2[%multiple_of3A_156, %dma_start3A_159] : memref<33216x2048xf32, #tpu.memory_space<hbm>> -> memref<16x2048xf32, #tpu.memory_space<hbm>>
        tpu.enqueue_dma source(%dma_start3A_160 : memref<16x2048xf32, #tpu.memory_space<hbm>>) target(%arg6 : memref<16x2048xf32, #tpu.memory_space<vmem>>) target_semaphore(%arg9 : memref<!tpu.dma_semaphore, #tpu.memory_space<semaphore_mem>>)
      } else {
      }
    }
    %scan3A_67 = arith.constant 22 : i32
    return
  }
}

module attributes {stable_mosaic.version = 14 : i64} {
  func.func @_values_body(%arg0: memref<8x8x512xi32, #tpu.memory_space<vmem>>, %arg1: memref<8x8x520xi32, #tpu.memory_space<vmem>>) attributes {dimension_semantics = [], scalar_prefetch = 0 : i64, scratch_operands = 0 : i64, tpu.core_type = #tpu.core_type<tc>} {
    %get3A = arith.constant 0 : index
    %get3A_0 = arith.constant 0 : index
    %get3A_1 = arith.constant 0 : index
    %get3A_2 = vector.load %arg0[%get3A, %get3A_0, %get3A_1] : memref<8x8x512xi32, #tpu.memory_space<vmem>>, vector<8x1x512xi32>
    %get3A_3 = vector.shape_cast %get3A_2 : vector<8x1x512xi32> to vector<8x512xi32>
    %broadcast_in_dim3A = arith.constant 2048 : i32
    %broadcast_in_dim3A_4 = vector.broadcast %broadcast_in_dim3A : i32 to vector<8x1xi32>
    %broadcast_in_dim3A_5 = arith.constant 2048 : i32
    %broadcast_in_dim3A_6 = vector.broadcast %broadcast_in_dim3A_5 : i32 to vector<8x7xi32>
    %concatenate3A = tpu.concatenate %broadcast_in_dim3A_4, %get3A_3, %broadcast_in_dim3A_6 in 1 : vector<8x1xi32>, vector<8x512xi32>, vector<8x7xi32> -> vector<8x520xi32>
    %swap3A = arith.constant 0 : index
    %swap3A_7 = arith.constant 0 : index
    %swap3A_8 = arith.constant 0 : index
    %swap3A_9 = vector.load %arg1[%swap3A, %swap3A_7, %swap3A_8] : memref<8x8x520xi32, #tpu.memory_space<vmem>>, vector<8x1x520xi32>
    %swap3A_10 = vector.shape_cast %swap3A_9 : vector<8x1x520xi32> to vector<8x520xi32>
    %swap3A_11 = vector.shape_cast %concatenate3A : vector<8x520xi32> to vector<8x1x520xi32>
    tpu.vector_store %arg1[%swap3A, %swap3A_7, %swap3A_8], %swap3A_11 {strides = array<i32>} : memref<8x8x520xi32, #tpu.memory_space<vmem>>, vector<8x1x520xi32>,
    %get3A_12 = arith.constant 0 : index
    %get3A_13 = arith.constant 1 : index
    %get3A_14 = arith.constant 0 : index
    %get3A_15 = vector.load %arg0[%get3A_12, %get3A_13, %get3A_14] : memref<8x8x512xi32, #tpu.memory_space<vmem>>, vector<8x1x512xi32>
    %get3A_16 = vector.shape_cast %get3A_15 : vector<8x1x512xi32> to vector<8x512xi32>
    %broadcast_in_dim3A_17 = arith.constant 2048 : i32
    %broadcast_in_dim3A_18 = vector.broadcast %broadcast_in_dim3A_17 : i32 to vector<8x2xi32>
    %broadcast_in_dim3A_19 = arith.constant 2048 : i32
    %broadcast_in_dim3A_20 = vector.broadcast %broadcast_in_dim3A_19 : i32 to vector<8x6xi32>
    %concatenate3A_21 = tpu.concatenate %broadcast_in_dim3A_18, %get3A_16, %broadcast_in_dim3A_20 in 1 : vector<8x2xi32>, vector<8x512xi32>, vector<8x6xi32> -> vector<8x520xi32>
    %swap3A_22 = arith.constant 0 : index
    %swap3A_23 = arith.constant 1 : index
    %swap3A_24 = arith.constant 0 : index
    %swap3A_25 = vector.load %arg1[%swap3A_22, %swap3A_23, %swap3A_24] : memref<8x8x520xi32, #tpu.memory_space<vmem>>, vector<8x1x520xi32>
    %swap3A_26 = vector.shape_cast %swap3A_25 : vector<8x1x520xi32> to vector<8x520xi32>
    %swap3A_27 = vector.shape_cast %concatenate3A_21 : vector<8x520xi32> to vector<8x1x520xi32>
    tpu.vector_store %arg1[%swap3A_22, %swap3A_23, %swap3A_24], %swap3A_27 {strides = array<i32>} : memref<8x8x520xi32, #tpu.memory_space<vmem>>, vector<8x1x520xi32>,
    %get3A_28 = arith.constant 0 : index
    %get3A_29 = arith.constant 2 : index
    %get3A_30 = arith.constant 0 : index
    %get3A_31 = vector.load %arg0[%get3A_28, %get3A_29, %get3A_30] : memref<8x8x512xi32, #tpu.memory_space<vmem>>, vector<8x1x512xi32>
    %get3A_32 = vector.shape_cast %get3A_31 : vector<8x1x512xi32> to vector<8x512xi32>
    %broadcast_in_dim3A_33 = arith.constant 2048 : i32
    %broadcast_in_dim3A_34 = vector.broadcast %broadcast_in_dim3A_33 : i32 to vector<8x3xi32>
    %broadcast_in_dim3A_35 = arith.constant 2048 : i32
    %broadcast_in_dim3A_36 = vector.broadcast %broadcast_in_dim3A_35 : i32 to vector<8x5xi32>
    %concatenate3A_37 = tpu.concatenate %broadcast_in_dim3A_34, %get3A_32, %broadcast_in_dim3A_36 in 1 : vector<8x3xi32>, vector<8x512xi32>, vector<8x5xi32> -> vector<8x520xi32>
    %swap3A_38 = arith.constant 0 : index
    %swap3A_39 = arith.constant 2 : index
    %swap3A_40 = arith.constant 0 : index
    %swap3A_41 = vector.load %arg1[%swap3A_38, %swap3A_39, %swap3A_40] : memref<8x8x520xi32, #tpu.memory_space<vmem>>, vector<8x1x520xi32>
    %swap3A_42 = vector.shape_cast %swap3A_41 : vector<8x1x520xi32> to vector<8x520xi32>
    %swap3A_43 = vector.shape_cast %concatenate3A_37 : vector<8x520xi32> to vector<8x1x520xi32>
    tpu.vector_store %arg1[%swap3A_38, %swap3A_39, %swap3A_40], %swap3A_43 {strides = array<i32>} : memref<8x8x520xi32, #tpu.memory_space<vmem>>, vector<8x1x520xi32>,
    %get3A_44 = arith.constant 0 : index
    %get3A_45 = arith.constant 3 : index
    %get3A_46 = arith.constant 0 : index
    %get3A_47 = vector.load %arg0[%get3A_44, %get3A_45, %get3A_46] : memref<8x8x512xi32, #tpu.memory_space<vmem>>, vector<8x1x512xi32>
    %get3A_48 = vector.shape_cast %get3A_47 : vector<8x1x512xi32> to vector<8x512xi32>
    %broadcast_in_dim3A_49 = arith.constant 2048 : i32
    %broadcast_in_dim3A_50 = vector.broadcast %broadcast_in_dim3A_49 : i32 to vector<8x4xi32>
    %broadcast_in_dim3A_51 = arith.constant 2048 : i32
    %broadcast_in_dim3A_52 = vector.broadcast %broadcast_in_dim3A_51 : i32 to vector<8x4xi32>
    %concatenate3A_53 = tpu.concatenate %broadcast_in_dim3A_50, %get3A_48, %broadcast_in_dim3A_52 in 1 : vector<8x4xi32>, vector<8x512xi32>, vector<8x4xi32> -> vector<8x520xi32>
    %swap3A_54 = arith.constant 0 : index
    %swap3A_55 = arith.constant 3 : index
    %swap3A_56 = arith.constant 0 : index
    %swap3A_57 = vector.load %arg1[%swap3A_54, %swap3A_55, %swap3A_56] : memref<8x8x520xi32, #tpu.memory_space<vmem>>, vector<8x1x520xi32>
    %swap3A_58 = vector.shape_cast %swap3A_57 : vector<8x1x520xi32> to vector<8x520xi32>
    %swap3A_59 = vector.shape_cast %concatenate3A_53 : vector<8x520xi32> to vector<8x1x520xi32>
    tpu.vector_store %arg1[%swap3A_54, %swap3A_55, %swap3A_56], %swap3A_59 {strides = array<i32>} : memref<8x8x520xi32, #tpu.memory_space<vmem>>, vector<8x1x520xi32>,
    %get3A_60 = arith.constant 0 : index
    %get3A_61 = arith.constant 4 : index
    %get3A_62 = arith.constant 0 : index
    %get3A_63 = vector.load %arg0[%get3A_60, %get3A_61, %get3A_62] : memref<8x8x512xi32, #tpu.memory_space<vmem>>, vector<8x1x512xi32>
    %get3A_64 = vector.shape_cast %get3A_63 : vector<8x1x512xi32> to vector<8x512xi32>
    %broadcast_in_dim3A_65 = arith.constant 2048 : i32
    %broadcast_in_dim3A_66 = vector.broadcast %broadcast_in_dim3A_65 : i32 to vector<8x5xi32>
    %broadcast_in_dim3A_67 = arith.constant 2048 : i32
    %broadcast_in_dim3A_68 = vector.broadcast %broadcast_in_dim3A_67 : i32 to vector<8x3xi32>
    %concatenate3A_69 = tpu.concatenate %broadcast_in_dim3A_66, %get3A_64, %broadcast_in_dim3A_68 in 1 : vector<8x5xi32>, vector<8x512xi32>, vector<8x3xi32> -> vector<8x520xi32>
    %swap3A_70 = arith.constant 0 : index
    %swap3A_71 = arith.constant 4 : index
    %swap3A_72 = arith.constant 0 : index
    %swap3A_73 = vector.load %arg1[%swap3A_70, %swap3A_71, %swap3A_72] : memref<8x8x520xi32, #tpu.memory_space<vmem>>, vector<8x1x520xi32>
    %swap3A_74 = vector.shape_cast %swap3A_73 : vector<8x1x520xi32> to vector<8x520xi32>
    %swap3A_75 = vector.shape_cast %concatenate3A_69 : vector<8x520xi32> to vector<8x1x520xi32>
    tpu.vector_store %arg1[%swap3A_70, %swap3A_71, %swap3A_72], %swap3A_75 {strides = array<i32>} : memref<8x8x520xi32, #tpu.memory_space<vmem>>, vector<8x1x520xi32>,
    %get3A_76 = arith.constant 0 : index
    %get3A_77 = arith.constant 5 : index
    %get3A_78 = arith.constant 0 : index
    %get3A_79 = vector.load %arg0[%get3A_76, %get3A_77, %get3A_78] : memref<8x8x512xi32, #tpu.memory_space<vmem>>, vector<8x1x512xi32>
    %get3A_80 = vector.shape_cast %get3A_79 : vector<8x1x512xi32> to vector<8x512xi32>
    %broadcast_in_dim3A_81 = arith.constant 2048 : i32
    %broadcast_in_dim3A_82 = vector.broadcast %broadcast_in_dim3A_81 : i32 to vector<8x6xi32>
    %broadcast_in_dim3A_83 = arith.constant 2048 : i32
    %broadcast_in_dim3A_84 = vector.broadcast %broadcast_in_dim3A_83 : i32 to vector<8x2xi32>
    %concatenate3A_85 = tpu.concatenate %broadcast_in_dim3A_82, %get3A_80, %broadcast_in_dim3A_84 in 1 : vector<8x6xi32>, vector<8x512xi32>, vector<8x2xi32> -> vector<8x520xi32>
    %swap3A_86 = arith.constant 0 : index
    %swap3A_87 = arith.constant 5 : index
    %swap3A_88 = arith.constant 0 : index
    %swap3A_89 = vector.load %arg1[%swap3A_86, %swap3A_87, %swap3A_88] : memref<8x8x520xi32, #tpu.memory_space<vmem>>, vector<8x1x520xi32>
    %swap3A_90 = vector.shape_cast %swap3A_89 : vector<8x1x520xi32> to vector<8x520xi32>
    %swap3A_91 = vector.shape_cast %concatenate3A_85 : vector<8x520xi32> to vector<8x1x520xi32>
    tpu.vector_store %arg1[%swap3A_86, %swap3A_87, %swap3A_88], %swap3A_91 {strides = array<i32>} : memref<8x8x520xi32, #tpu.memory_space<vmem>>, vector<8x1x520xi32>,
    %get3A_92 = arith.constant 0 : index
    %get3A_93 = arith.constant 6 : index
    %get3A_94 = arith.constant 0 : index
    %get3A_95 = vector.load %arg0[%get3A_92, %get3A_93, %get3A_94] : memref<8x8x512xi32, #tpu.memory_space<vmem>>, vector<8x1x512xi32>
    %get3A_96 = vector.shape_cast %get3A_95 : vector<8x1x512xi32> to vector<8x512xi32>
    %broadcast_in_dim3A_97 = arith.constant 2048 : i32
    %broadcast_in_dim3A_98 = vector.broadcast %broadcast_in_dim3A_97 : i32 to vector<8x7xi32>
    %broadcast_in_dim3A_99 = arith.constant 2048 : i32
    %broadcast_in_dim3A_100 = vector.broadcast %broadcast_in_dim3A_99 : i32 to vector<8x1xi32>
    %concatenate3A_101 = tpu.concatenate %broadcast_in_dim3A_98, %get3A_96, %broadcast_in_dim3A_100 in 1 : vector<8x7xi32>, vector<8x512xi32>, vector<8x1xi32> -> vector<8x520xi32>
    %swap3A_102 = arith.constant 0 : index
    %swap3A_103 = arith.constant 6 : index
    %swap3A_104 = arith.constant 0 : index
    %swap3A_105 = vector.load %arg1[%swap3A_102, %swap3A_103, %swap3A_104] : memref<8x8x520xi32, #tpu.memory_space<vmem>>, vector<8x1x520xi32>
    %swap3A_106 = vector.shape_cast %swap3A_105 : vector<8x1x520xi32> to vector<8x520xi32>
    %swap3A_107 = vector.shape_cast %concatenate3A_101 : vector<8x520xi32> to vector<8x1x520xi32>
    tpu.vector_store %arg1[%swap3A_102, %swap3A_103, %swap3A_104], %swap3A_107 {strides = array<i32>} : memref<8x8x520xi32, #tpu.memory_space<vmem>>, vector<8x1x520xi32>,
    %get3A_108 = arith.constant 0 : index
    %get3A_109 = arith.constant 7 : index
    %get3A_110 = arith.constant 0 : index
    %get3A_111 = vector.load %arg0[%get3A_108, %get3A_109, %get3A_110] : memref<8x8x512xi32, #tpu.memory_space<vmem>>, vector<8x1x512xi32>
    %get3A_112 = vector.shape_cast %get3A_111 : vector<8x1x512xi32> to vector<8x512xi32>
    %broadcast_in_dim3A_113 = arith.constant 2048 : i32
    %broadcast_in_dim3A_114 = vector.broadcast %broadcast_in_dim3A_113 : i32 to vector<8x8xi32>
    %concatenate3A_115 = tpu.concatenate %broadcast_in_dim3A_114, %get3A_112 in 1 : vector<8x8xi32>, vector<8x512xi32> -> vector<8x520xi32>
    %swap3A_116 = arith.constant 0 : index
    %swap3A_117 = arith.constant 7 : index
    %swap3A_118 = arith.constant 0 : index
    %swap3A_119 = vector.load %arg1[%swap3A_116, %swap3A_117, %swap3A_118] : memref<8x8x520xi32, #tpu.memory_space<vmem>>, vector<8x1x520xi32>
    %swap3A_120 = vector.shape_cast %swap3A_119 : vector<8x1x520xi32> to vector<8x520xi32>
    %swap3A_121 = vector.shape_cast %concatenate3A_115 : vector<8x520xi32> to vector<8x1x520xi32>
    tpu.vector_store %arg1[%swap3A_116, %swap3A_117, %swap3A_118], %swap3A_121 {strides = array<i32>} : memref<8x8x520xi32, #tpu.memory_space<vmem>>, vector<8x1x520xi32>,
    return
  }
}

</mosaic_0001>

<sc_bundles>
// kernel: kernel.4.cloned.1.call-start
scs
__scs_entry_jumppad:
0x0: {  	(pc) =	sbr.rel $0x88, $3  }
0x1: {  	(tag) =	ssettag $0x0;
	lr =	simm.s32 $0x1  }
0x2: {  	[smem:$0x3F9F] =	sst lr;
	_ =	strace $0xD0000000  }
0x3: {  	_ = 	snop  }
0x4: {  	_ = 	snop  }
0x5: {  	_ = 	snop  }
0x6: {  	_ = 	snop  }
0x7: {  	_ = 	snop  }
__scs_overlays_trampoline_lowered:
0x8: {  	[smem:$0x3FAE] =	sst s0  }
0x9: {  	[smem:$0x3FAF] =	sst s1  }
0xa: {  	[smem:$0x3FB0] =	sst s2  }
0xb: {  	[smem:$0x3FB1] =	sst s3  }
0xc: {  	[smem:$0x3FB2] =	sst s4  }
0xd: {  	[smem:$0x3FB3] =	sst s5  }
0xe: {  	[smem:$0x3FB4] =	sst s6  }
0xf: {  	[smem:$0x3FB5] =	sst s7  }
0x10: {  	[smem:$0x3FB6] =	sst s8  }
0x11: {  	[smem:$0x3FB7] =	sst s9;
	s0 =	simm.s32 @!p0 $0x0  }
0x12: {  	s1 =	sld [smem:$0x3F9D];
	s0 =	simm.s32 @p0 $0x1  }
0x13: {  	[smem:$0x3FB8] =	sst s0;
	s0 =	simm.s32 @!p1 $0x0  }
0x14: {  	s2 =	sld [smem:$0x3F9C];
	s0 =	simm.s32 @p1 $0x1  }
0x15: {  	[smem:$0x3FB9] =	sst s0;
	s0 =	simm.s32 @!p2 $0x0  }
0x16: {  	s3 =	sld [smem:$0x3FDB];
	s0 =	simm.s32 @p2 $0x1  }
0x17: {  	s4 =	simm.s32 $0x1BF5;
	[smem:$0x3FBB] =	sst s0  }
0x18: {  	s0 =	sld [smem:$0x3F9E];
	_ =	swait.ge [sflag:s4], $0x0  }
0x19: {  	s7 =	sld [smem:$0x3F9F]  }
0x1a: {  	s8 =	sadd.s32 $0xFFFFE003, lr  }
0x1b: {  	s9 =	sadd.s32 $0xFFFFFEF7, lr;
	s5 =	simm.s32 $0xFFFFFFFF;
	p2 =	slt.u32 s8, $0xFFFFF086  }
0x1c: {  	p1 =	slt.u32 s9, $0xF7A;
	s5 =	simm.s32 @!p2 $0x0  }
0x1d: {  	s5 =	simm.s32 @p1 $0x1;
	p0 =	seq.s32 s7, s2  }
0x1e: {  	s7 =	smul.u32 @!p0 $0xF7A, s2;
	p2 =	seq.s32 @!p0 s5, $0x0  }
0x1f: {  	s9 =	smul.u32 $0xF7A, s1;
	s8 =	simm.s32 @!p0 $0x1BF5;
	p2 =	por !p2, p0  }
0x20: {  	[sflag:s8] =	ssyncset.s32 @!p0 $0xFFFFF086;
	s6 =	sadd.s32 @!p0 s3, s7;
	s7 =	simm.s32 @!p0 $0x108  }
0x21: {  	s3 =	sadd.s32 s3, s9;
	s6 =	sadd.s32 @!p0 $0x88, s6;
	s7 =	simm.s32 @p2 $0x1082  }
0x22: {  	[simem:s7], [sflag:s8] =	dma.local @!p0 [hbm:s6], $0xF7A  }
0x23: {  	s9 =	sor.u32 $0xD0000000, s2;
	s6 =	simm.s32 $0x108;
	_ =	swait.ge @!p0 [sflag:s8], $0x0  }
0x24: {  	s3 =	sadd.s32 $0x88, s3;
	s6 =	simm.s32 @!p1 $0x1082;
	[sflag:s4] =	ssyncset.s32 $0xFFFFF086  }
0x25: {  	[simem:s6], [sflag:s4] =	dma.local [hbm:s3], $0xF7A  }
0x26: {  	[smem:$0x3F9F] =	sst s1;
	(tag) =	ssettag s2;
	_ =	strace s9  }
0x27: {  	s1 =	sld [smem:$0x3FAF]  }
0x28: {  	s2 =	sld [smem:$0x3FB0]  }
0x29: {  	s4 =	sld [smem:$0x3FB2]  }
0x2a: {  	p0 =	seq.s32 s5, $0x0;
	s5 =	sld [smem:$0x3FB3]  }
0x2b: {  	s6 =	sld [smem:$0x3FB4]  }
0x2c: {  	s7 =	sld [smem:$0x3FB5]  }
0x2d: {  	s3 =	simm.s32 $0x108;
	s8 =	sld [smem:$0x3FB6]  }
0x2e: {  	s3 =	simm.s32 @!p0 $0x1082;
	s9 =	sld [smem:$0x3FB7]  }
0x2f: {  	lr =	sadd.s32 s0, s3;
	s0 =	sld [smem:$0x3FAE]  }
0x30: {  	s3 =	sld [smem:$0x3FB1]  }
0x31: {  	[smem:$0x3FBA] =	sst s10  }
0x32: {  	s10 =	sld [smem:$0x3FB8];
	_ =	sdelay $0x3  }
0x33: {  	p0 =	seq.s32 s10, $0x1;
	s10 =	sld [smem:$0x3FBA];
	_ =	sdelay $0x3  }
0x34: {  	[smem:$0x3FBA] =	sst s10  }
0x35: {  	s10 =	sld [smem:$0x3FB9];
	_ =	sdelay $0x3  }
0x36: {  	p1 =	seq.s32 s10, $0x1;
	s10 =	sld [smem:$0x3FBA];
	_ =	sdelay $0x3  }
0x37: {  	[smem:$0x3FBA] =	sst s10  }
0x38: {  	s10 =	sld [smem:$0x3FBB]  }
0x39: {  	_ = 	snop;
	(pc) =	sbr.ind lr, $3  }
0x3a: {  	_ = 	snop  }
0x3b: {  	_ = 	snop  }
0x3c: {  	p2 =	seq.s32 s10, $0x1;
	s10 =	sld [smem:$0x3FBA]  }
0x3d: {  	_ =	shalt  }
0x3e: {  	_ =	shalt  }
0x3f: {  	_ =	shalt  }
0x40: {  	_ =	shalt  }
0x41: {  	_ =	shalt  }
0x42: {  	_ =	shalt  }
0x43: {  	_ =	shalt  }
0x44: {  	_ =	shalt  }
0x45: {  	_ =	shalt  }
0x46: {  	_ =	shalt  }
0x47: {  	_ =	shalt  }
0x48: {  	_ =	shalt  }
0x49: {  	_ =	shalt  }
0x4a: {  	_ =	shalt  }
0x4b: {  	_ =	shalt  }
0x4c: {  	_ =	shalt  }
0x4d: {  	_ =	shalt  }
0x4e: {  	_ =	shalt  }
0x4f: {  	_ =	shalt  }
0x50: {  	_ =	shalt  }
0x51: {  	_ =	shalt  }
0x52: {  	_ =	shalt  }
0x53: {  	_ =	shalt  }
0x54: {  	_ =	shalt  }
0x55: {  	_ =	shalt  }
0x56: {  	_ =	shalt  }
0x57: {  	_ =	shalt  }
0x58: {  	_ =	shalt  }
0x59: {  	_ =	shalt  }
0x5a: {  	_ =	shalt  }
0x5b: {  	_ =	shalt  }
0x5c: {  	_ =	shalt  }
0x5d: {  	_ =	shalt  }
0x5e: {  	_ =	shalt  }
0x5f: {  	_ =	shalt  }
0x60: {  	_ =	shalt  }
0x61: {  	_ =	shalt  }
0x62: {  	_ =	shalt  }
0x63: {  	_ =	shalt  }
0x64: {  	_ =	shalt  }
0x65: {  	_ =	shalt  }
0x66: {  	_ =	shalt  }
0x67: {  	_ =	shalt  }
0x68: {  	_ =	shalt  }
0x69: {  	_ =	shalt  }
0x6a: {  	_ =	shalt  }
0x6b: {  	_ =	shalt  }
0x6c: {  	_ =	shalt  }
0x6d: {  	_ =	shalt  }
0x6e: {  	_ =	shalt  }
0x6f: {  	_ =	shalt  }
0x70: {  	_ =	shalt  }
0x71: {  	_ =	shalt  }
0x72: {  	_ =	shalt  }
0x73: {  	_ =	shalt  }
0x74: {  	_ =	shalt  }
0x75: {  	_ =	shalt  }
0x76: {  	_ =	shalt  }
0x77: {  	_ =	shalt  }
0x78: {  	_ =	shalt  }
0x79: {  	_ =	shalt  }
0x7a: {  	_ =	shalt  }
0x7b: {  	_ =	shalt  }
0x7c: {  	_ =	shalt  }
0x7d: {  	_ =	shalt  }
0x7e: {  	_ =	shalt  }
0x7f: {  	_ =	shalt  }
0x80: {  	_ =	shalt  }
0x81: {  	_ =	shalt  }
0x82: {  	_ =	shalt  }
0x83: {  	_ =	shalt  }
0x84: {  	_ =	shalt  }
0x85: {  	_ =	shalt  }
0x86: {  	_ =	shalt  }
0x87: {  	_ =	shalt  }
.Lfunc_end0:
.L_simem_size_0:
called_computation_lowered:
.L_overlay_start_0:
0x88: {  	s2 =	sld [smem:$0x3FD9]  }
0x89: {  	s3 =	sld [smem:$0x3FFE];
	_ =	sdelay $0x1  }
0x8a: {  	s1 =	srdreg.scid  }
0x8b: {  	s0 =	sand.u32 $0x1, s1  }
0x8c: {  	s14 =	sshll.u32 s0, $0xA;
	s2 =	sadd.s32 s3, s2  }
0x8d: {  	s2 =	sadd.s32 s2, s14  }
0x8e: {  	[smem:$0x3FC6] =	sst s2  }
0x8f: {  	_ = 	snop  }
0x90: {  	s2 =	sld [smem:$0x3FD0];
	_ =	sdelay $0x2  }
0x91: {  	s15 =	simm.s32 $0xA;
	s4 =	simm.s32 $0x10  }
0x92: {  	[smem:s4], [sflag:s15] =	dma.local [hbm:s2], $0x1  }
0x93: {  	_ =	swait.eq [sflag:s15], $0x1  }
0x94: {  	[sflag:s15] =	ssyncset.done $0x0  }
0x95: {  	[sflag:s15] =	ssyncadd.s32 $0xFFFFFFFF  }
0x96: {  	s16 =	sld [smem:$0x12];
	(tm) =	ssettm $0x1  }
0x97: {  	s17 =	sld [smem:$0x3FFB];
	_ =	sdelay $0x3  }
0x98: {  	_ =	strace s17  }
0x99: {  	s3 =	sld [smem:$0x3FFC];
	_ =	sdelay $0x3  }
0x9a: {  	_ =	strace s3  }
0x9b: {  	s3 =	sld [smem:$0x3FFD];
	_ =	sdelay $0x3  }
0x9c: {  	_ =	strace s3  }
0x9d: {  	_ =	strace $0x8FFFFFFF  }
0x9e: {  	s18 =	sld [smem:$0x3FDB];
	_ =	sdelay $0x1  }
0x9f: {  	s19 =	simm.s32 $_scs_section_size  }
0xa0: {  	s5 =	simm.s32 $_size__tile_overlayer_lowered;
	s6 =	simm.s32 $_tile_overlayer_lowered  }
0xa1: {  	s22 =	simm.s32 $0x1BFF;
	s21 =	sshll.u32 s6, $0x1;
	s3 =	sadd.s32 s19, s18  }
0xa2: {  	s7 =	simm.s32 $0x0;
	s20 =	sshll.u32 s5, $0x1;
	s5 =	sadd.s32 s21, s3  }
0xa3: {  	[timem:s7], [sflag:s22] =	dma.local [hbm:s5], s20  }
0xa4: {  	_ =	swait.ge [sflag:s22], s20  }
0xa5: {  	s4 =	ssub.s32 $0x0, s20;
	[sflag:s22] =	ssyncset.done $0x0  }
0xa6: {  	[sflag:s22] =	ssyncadd.s32 s4;
	_ =	sdelay $0x1  }
0xa7: {  	s23 =	simm.s32 $0x1B8B  }
0xa8: {  	_ =	swait.ge [sflag:s23], $0x1  }
0xa9: {  	[sflag:s23] =	ssyncset.done $0x0  }
0xaa: {  	s25 =	simm.s32 $0x1B8E;
	s24 =	sld [smem:$0x3FFE];
	[sflag:s23] =	ssyncadd.s32 $0xFFFFFFFF  }
0xab: {  	s26 =	simm.s32 $execute0_lowered;
	[smem:$0x3FD2] =	sst s25  }
0xac: {  	s5 =	sshll.u32 s26, $0x1;
	_ =	strace $0x80000046;
	[dreg:$0x1] =	wrdreg $0xFFFFFFFF  }
0xad: {  	s28 =	simm.s32 $_size_execute0_lowered;
	s3 =	sadd.s32 s3, s5;
	[dreg:$0x0] =	wrdreg $0x0  }
0xae: {  	s5 =	sshll.u32 s28, $0x1;
	[dreg:$0x2] =	wrdreg s3  }
0xaf: {  	[dreg:$0x3] =	wrdreg s5  }
0xb0: {  	[dreg:$0x4] =	wrdreg $0xC0  }
0xb1: {  	_ =	task [dreg:s7], $0x5FFFF  }
0xb2: {  	[dreg:$0x1] =	wrdreg $0xFFFFFFFF  }
0xb3: {  	[dreg:$0x0] =	wrdreg $0x60  }
0xb4: {  	[dreg:$0x2] =	wrdreg s24  }
0xb5: {  	[dreg:$0x3] =	wrdreg s16  }
0xb6: {  	[dreg:$0x4] =	wrdreg $0x9  }
0xb7: {  	_ =	task.clear_ibuf [dreg:s7], $0x5FFFF;
	_ =	strace $0x90000046  }
0xb8: {  	s29 =	simm.s32 $0x9;
	_ =	strace $0x80000048  }
0xb9: {  	_ =	swait.ge [sflag:s29], $0x1  }
0xba: {  	[sflag:s29] =	ssyncadd.s32 $0xFFFFFFFF  }
0xbb: {  	_ =	strace $0x90000048  }
0xbc: {  	_ =	sfence  }
0xbd: {  	s30 =	sld [smem:$0x0];
	_ =	sdelay $0x2  }
0xbe: {  	s31 =	sshll.u32 s1, $0xD;
	s1 =	sshrl.u32 s1, $0x2  }
0xbf: {  	s3 =	sand.u32 $0x4000, s31;
	s1 =	sadd.s32 s1, s30  }
0xc0: {  	s0 =	sor.u32 s3, s0;
	s1 =	sshll.u32 s1, $0x11  }
0xc1: {  	s0 =	sor.u32 s1, s0  }
0xc2: {  	s0 =	sadd.s32 $0x8F2B, s0  }
0xc3: {  	[sflag:s0] =	ssyncadd.remote.s32 $0x1  }
0xc4: {  	_ =	sfence.sel $0xFFFF  }
0xc5: {  	[dreg:$0x0] =	wrdreg $0xFFFFFFFF;
	(pc) =	sbr.abs _section_cstart, $3  }
0xc6: {  	[dreg:$0x1] =	wrdreg $0xFFFFFFFF  }
0xc7: {  	_ =	task.clear_ibuf [dreg:s7], $0x2FFFF;
	_ =	strace $0x9FFFFFFF  }
0xc8: {  	(tm) =	ssettm $0x7FFFFFFF  }
0xc9: {  	_ =	shalt  }
tec
execute0_lowered:
.L_overlay_start_1:
0x0: {  	(tag) =	ssettag $0x1  }
0x1: {  	s1 =	srdreg.scid  }
0x2: {  	s0 =	stileid.u32;
	s4 =	rddreg [dreg:$0x0]  }
0x3: {  	s11 =	rddreg [dreg:$0x1];
	s3 =	simm.s32 $0x0;
	s13 =	simm.s32 $0x10000  }
0x4: {  	s14 =	simm.s32 $0x1;
	s15 =	simm.s32 $0x4;
	s16 =	simm.s32 $0x2  }
0x5: {  	s17 =	simm.s32 $0x3;
	s18 =	simm.s32 $0x5;
	s19 =	simm.s32 $0x0  }
0x6: {  	s6 =	sand.u32 $0x1, s1;
	s30 =	sshll.u32 s0, $0x1;
	[smem:$0x7FF] =	sst s3  }
0x7: {  	s4 =	sadd.s32 $0x820800, s4;
	s9 =	sshll.u32 s0, $0x16;
	s1 =	sor.u32 s6, s30  }
0x8: {  	s31 =	ssub.s32 $0x2, s6;
	s10 =	sshll.u32 s6, $0x15;
	s2 =	sshll.u32 s1, $0x1  }
0x9: {  	s5 =	smul.u32 $0x40E, s1;
	s1 =	rddreg [dreg:$0x2];
	_ =	strace $0x80000047  }
0xa: {  	s8 =	sshrl.u32 s31, $0x1;
	s12 =	sor.u32 s10, s9;
	s7 =	sand.u32 $0x6, s2  }
0xb: {  	s8 =	ssub.s32 s31, s8;
	s9 =	sor.u32 $0x10000, s12;
	s10 =	sor.u32 $0x8000, s12  }
.Ltmp0:
0xc: {  	s12 =	sshrl.u32 s12, $0x3;
	s5 =	sadd.s32 s5, s7;
	(pc) =	sbr.rel .LBB2_1-.Ltmp0, $4  }
0xd: {  	s8 =	smax.u32 s8, $0x1;
	s9 =	sshrl.u32 s9, $0x3;
	s5 =	sshll.u32 s5, $0x8  }
0xe: {  	s10 =	sshrl.u32 s10, $0x3;
	s9 =	sadd.s32 s9, s11;
	s5 =	sand.u32 $0xFFF800, s5  }
0xf: {  	s10 =	sadd.s32 s10, s11;
	s11 =	sadd.s32 s12, s11;
	s5 =	sadd.s32 s4, s5  }
0x10: {  	s12 =	simm.s32 $0x8000;
	s6 =	sadd.s32 $0x1000, s5;
	s7 =	sadd.s32 $0x2000, s5  }
.LBB2_6:
0x11: {  	_ =	swait.ge [sflag:s15], $0x8000  }
0x12: {  	[sflag:s15] =	ssyncset.done $0x0  }
0x13: {  	[sflag:s15] =	ssyncadd.s32 $0xFFFF8000  }
.LBB2_4:
0x14: {  	s19 =	sadd.s32 $0x1, s19  }
0x15: {  	p0 =	sne.s32 s19, s8  }
.Ltmp1:
0x16: {  	_ = 	snop;
	(pc) =	sbr.rel @!p0 .LBB2_5-.Ltmp1, $1  }
0x17: {  	_ =	sdelay $0x3  }
.LBB2_1:
0x18: {  	[tilespmem:s3], [sflag:$0x1] =	stream.linear.gather [hbm4b:s5+s3], $0x8000, $0x38;
	[tilespmem:$0x18000] =	vst v63  }
0x19: {  	s20 =	simm.s32 $0x28000;
	s21 =	simm.s32 $0x5;
	s22 =	smov.u32 s11  }
0x1a: {  	[tilespmem:s12], [sflag:$0x2] =	stream.linear.gather [hbm4b:s6+s3], $0x8000, $0x38;
	[tilespmem:$0x18000] =	vst v63  }
0x1b: {  	s23 =	smov.u32 s10;
	s24 =	smov.u32 s9;
	s25 =	simm.s32 $0x0  }
0x1c: {  	[tilespmem:s13], [sflag:$0x3] =	stream.linear.gather [hbm4b:s7+s3], $0x8000, $0x38;
	[tilespmem:$0x18000] =	vst v63  }
.LBB2_2:
0x1d: {  	p0 =	seq.s32 s20, $0x220000  }
.Ltmp2:
0x1e: {  	_ = 	snop;
	(pc) =	sbr.rel @p0 .LBB2_6-.Ltmp2, $4  }
0x1f: {  	_ =	swait.ge [sflag:s14], $0x8000  }
0x20: {  	[sflag:s14] =	ssyncset.done $0x0  }
0x21: {  	[sflag:s14] =	ssyncadd.s32 $0xFFFF8000  }
0x22: {  	[hbm4b:s22+s3] =	stream.linear.scatter [tilespmem:s3], [sflag:$0x4], $0x8000, $0x38;
	[tilespmem:$0x18000] =	vst v63  }
0x23: {  	_ =	swait.ge [sflag:s16], $0x8000;
	s26 =	sadd.s32 $0xFFFFFFFE, s21  }
0x24: {  	[sflag:s16] =	ssyncset.done $0x0;
	s26 =	sshrl.u32 s26, $0x5  }
0x25: {  	[sflag:s16] =	ssyncadd.s32 $0xFFFF8000;
	s26 =	sadd.s32 s2, s26  }
0x26: {  	[hbm4b:s23+s3] =	stream.linear.scatter [tilespmem:s12], [sflag:$0x5], $0x8000, $0x38;
	[tilespmem:$0x18000] =	vst v63  }
0x27: {  	s28 =	smul.u32 $0x207, s26  }
0x28: {  	s26 =	sand.u32 $0x7, s26;
	_ =	swait.ge [sflag:s17], $0x8000  }
0x29: {  	s29 =	sadd.s32 $0xFFFF0000, s20;
	[sflag:s17] =	ssyncset.done $0x0;
	s26 =	sadd.s32 s26, s28  }
0x2a: {  	s31 =	sand.u32 $0xF8000, s29;
	[sflag:s17] =	ssyncadd.s32 $0xFFFF8000;
	s26 =	sshll.u32 s26, $0xB  }
0x2b: {  	[hbm4b:s24+s3] =	stream.linear.scatter [tilespmem:s13], [sflag:$0x6], $0x8000, $0x38;
	[tilespmem:$0x18000] =	vst v63  }
0x2c: {  	s26 =	sadd.s32 s31, s26  }
0x2d: {  	_ =	swait.ge [sflag:s15], $0x8000;
	s26 =	sshrl.u32 s26, $0x3  }
0x2e: {  	[sflag:s15] =	ssyncset.done $0x0;
	s26 =	sand.u32 $0x1FFFF800, s26  }
0x2f: {  	p0 =	slt.u32 s25, $0x14;
	[sflag:s15] =	ssyncadd.s32 $0xFFFF8000;
	s26 =	sadd.s32 s4, s26  }
0x30: {  	[tilespmem:s3], [sflag:$0x1] =	stream.linear.gather [hbm4b:s26+s3], $0x8000, $0x38;
	[tilespmem:$0x18000] =	vst v63  }
0x31: {  	s26 =	sadd.s32 @p0 $0xFFFFFFFF, s21  }
0x32: {  	s26 =	sshrl.u32 @p0 s26, $0x5  }
0x33: {  	s26 =	sadd.s32 @p0 s2, s26  }
0x34: {  	s28 =	smul.u32 @p0 $0x207, s26  }
0x35: {  	s26 =	sand.u32 @p0 $0x7, s26  }
0x36: {  	s29 =	sadd.s32 @p0 $0xFFFF8000, s20;
	s26 =	sadd.s32 @p0 s26, s28  }
0x37: {  	s28 =	sand.u32 @p0 $0xF8000, s29;
	s26 =	sshll.u32 @p0 s26, $0xB  }
0x38: {  	_ =	swait.ge [sflag:s18], $0x8000;
	s26 =	sadd.s32 @p0 s28, s26  }
0x39: {  	[sflag:s18] =	ssyncset.done $0x0;
	s26 =	sshrl.u32 @p0 s26, $0x3  }
0x3a: {  	[sflag:s18] =	ssyncadd.s32 $0xFFFF8000;
	s26 =	sand.u32 @p0 $0x1FFFF800, s26  }
0x3b: {  	s29 =	simm.s32 @p0 $0x8000;
	s28 =	simm.s32 @p0 $0x0;
	s26 =	sadd.s32 @p0 s4, s26  }
0x3c: {  	[tilespmem:s29], [sflag:$0x2] =	stream.linear.gather @p0 [hbm4b:s26+s28], $0x8000, $0x38;
	[tilespmem:$0x18000] =	vst v63  }
0x3d: {  	s26 =	sshrl.u32 @p0 s21, $0x5  }
0x3e: {  	s26 =	sadd.s32 @p0 s2, s26  }
0x3f: {  	s29 =	smul.u32 @p0 $0x207, s26  }
0x40: {  	s26 =	sand.u32 @p0 $0x7, s26  }
0x41: {  	s26 =	sadd.s32 @p0 s26, s29  }
0x42: {  	s29 =	sand.u32 @p0 $0xF8000, s20;
	s26 =	sshll.u32 @p0 s26, $0xB  }
0x43: {  	s30 =	simm.s32 @p0 $0x6;
	s26 =	sadd.s32 @p0 s29, s26  }
0x44: {  	_ =	swait.ge @p0 [sflag:s30], $0x8000;
	s26 =	sshrl.u32 @p0 s26, $0x3  }
0x45: {  	[sflag:s30] =	ssyncset.done @p0 $0x0;
	s26 =	sand.u32 @p0 $0x1FFFF800, s26  }
0x46: {  	[sflag:s30] =	ssyncadd.s32 @p0 $0xFFFF8000;
	s29 =	simm.s32 @p0 $0x10000;
	s26 =	sadd.s32 @p0 s4, s26  }
0x47: {  	[tilespmem:s29], [sflag:$0x3] =	stream.linear.gather @p0 [hbm4b:s26+s28], $0x8000, $0x38;
	[tilespmem:$0x18000] =	vst v63  }
0x48: {  	s26 =	simm.s32 @!p0 $0x6  }
0x49: {  	_ =	swait.ge @!p0 [sflag:s26], $0x8000  }
0x4a: {  	s20 =	sadd.s32 $0x18000, s20;
	[sflag:s26] =	ssyncset.done @!p0 $0x0  }
0x4b: {  	[sflag:s26] =	ssyncadd.s32 @!p0 $0xFFFF8000;
	p0 =	sne.s32 s20, $0x238000  }
.Ltmp3:
0x4c: {  	_ = 	snop;
	(pc) =	sbr.rel @p0 .LBB2_2-.Ltmp3, $4  }
.Ltmp4:
0x4d: {  	_ = 	snop;
	(pc) =	sbr.rel @!p0 .LBB2_4-.Ltmp4, $4  }
0x4e: {  	_ = 	snop  }
0x4f: {  	s25 =	sadd.s32 $0x1, s25;
	s22 =	sadd.s32 $0x3000, s22  }
0x50: {  	s23 =	sadd.s32 $0x3000, s23;
	s24 =	sadd.s32 $0x3000, s24;
	s21 =	sadd.s32 $0x3, s21  }
0x51: {  	_ = 	snop  }
.LBB2_5:
0x52: {  	_ =	sfence.sel $0x180000  }
0x53: {  	[bflag:$0x0] =	sbarrier.arrive $0xFFFF  }
0x54: {  	p0 =	sne.s32 s0, $0x0;
	_ =	strace $0x90000047  }
0x55: {  	s0 =	sadd.s32 @!p0 $0x100000, s1;
	[bflag:$0x2] =	sbarrier.arrive $0xFFFF  }
0x56: {  	[sflag:s0] =	ssyncadd.tile.s32 @!p0 $0x1;
	_ =	shalt  }
.Lfunc_end2:
_tile_overlayer_lowered:
.L_overlay_start_2:
0x57: {  	(tag) =	ssettag $0x2  }
0x58: {  	s0 =	rddreg [dreg:$0x0];
	s2 =	stileid.u32  }
0x59: {  	s1 =	rddreg [dreg:$0x1];
	p0 =	sne.s32 s2, $0x0  }
0x5a: {  	s3 =	rddreg [dreg:$0x2];
	[bflag:$0x3] =	sbarrier.arrive $0xFFFF;
	s2 =	simm.s32 @!p0 $0x1C07  }
0x5b: {  	[timem:s3], [sflag:s2] =	dma.local @!p0 [hbm:s0], s1  }
0x5c: {  	s0 =	simm.s32 @!p0 $0x7  }
0x5d: {  	_ =	swait.ge @!p0 [sflag:s0], s1  }
0x5e: {  	s1 =	ssub.s32 @!p0 $0x0, s1;
	[sflag:s0] =	ssyncset.done @!p0 $0x0  }
0x5f: {  	[sflag:s0] =	ssyncadd.s32 @!p0 s1  }
0x60: {  	[bflag:$0x3] =	sbarrier.arrive $0xFFFF  }
0x61: {  	_ =	shalt  }

</sc_bundles>
